<compile_context>
chip_gen: v7x
topology: tpu7x:2x2x1
jax: 0.10.2.dev20260603
libtpu: 0.0.44.dev20260713+nightly
codegen_flags: <defaults>
</compile_context>

<pallas_src>
import functools

import jax
import jax.numpy as jnp
from jax import lax
from jax.experimental import pallas as pl
from jax.experimental.pallas import tpu as pltpu
from jax.experimental.pallas import tpu_sc as plsc

_COMMITMENT = 1.0


def _argmin_body(x_ref, w_ref, b_ref, cb_ref, idx_ref, loss_ref, *, T, K, KC, n_t, scale):
    b = pl.program_id(0)
    t = pl.program_id(1)
    xb = x_ref[0]
    z = lax.dot_general(xb, w_ref[...], (((0,), (0,)), ((), ())))
    z = z + b_ref[...]
    z2 = jnp.sum(z * z, axis=1, keepdims=True)

    mval = None
    midx = None
    for i in range(K // KC):
        cb = cb_ref[pl.ds(i * KC, KC), :]
        s = lax.dot_general(z, cb, (((1,), (1,)), ((), ())))
        c2 = jnp.sum(cb * cb, axis=1)
        d2 = z2 - 2.0 * s + c2[None, :]
        lm = jnp.min(d2, axis=1, keepdims=True)
        io = lax.broadcasted_iota(jnp.int32, (T, KC), 1) + (i * KC)
        li = jnp.min(jnp.where(d2 == lm, io, K), axis=1, keepdims=True)
        if mval is None:
            mval, midx = lm, li
        else:
            take = lm < mval
            mval = jnp.where(take, lm, mval)
            midx = jnp.where(take, li, midx)

    idx_ref[0, 0] = midx[:, 0]

    @pl.when(jnp.logical_and(b == 0, t == 0))
    def _():
        loss_ref[0] = 0.0

    loss_ref[0] += jnp.sum(mval) * scale


def _proj_out_body(q_ref, w_ref, b_ref, out_ref):
    q = q_ref[0]
    o = lax.dot_general(w_ref[...], q, (((0,), (1,)), ((), ())))
    out_ref[0] = o + b_ref[...]


def _sc_gather(codebook, idx_flat):
    K, C = codebook.shape
    N = idx_flat.shape[0]
    info = plsc.get_sparse_core_info()
    NC, NS = info.num_cores, info.num_subcores
    NW = NC * NS
    b_per_w = N // NW
    n_sub = b_per_w // 128
    idx2 = idx_flat.reshape(N // 128, 128)

    mesh = plsc.VectorSubcoreMesh(core_axis_name="c", subcore_axis_name="s")

    @functools.partial(
        pl.kernel,
        out_type=jax.ShapeDtypeStruct((N, C), jnp.float32),
        mesh=mesh,
        scratch_types=[
            pltpu.VMEM((n_sub, 128), jnp.int32),
            pltpu.VMEM((b_per_w, C), jnp.float32),
            pltpu.SemaphoreType.DMA,
        ],
        compiler_params=pltpu.CompilerParams(use_tc_tiling_on_sc=False),
    )
    def gather(cb_hbm, idx_hbm, out_hbm, idx_v, rows_v, sem):
        wid = lax.axis_index("s") * NC + lax.axis_index("c")
        base = wid * b_per_w
        pltpu.sync_copy(idx_hbm.at[pl.ds(wid * n_sub, n_sub)], idx_v)
        cps = [
            pltpu.async_copy(
                cb_hbm.at[idx_v.at[j]],
                rows_v.at[pl.ds(j * 128, 128)],
                sem,
            )
            for j in range(n_sub)
        ]
        for cp in cps:
            cp.wait()
        pltpu.sync_copy(rows_v, out_hbm.at[pl.ds(base, b_per_w)])

    return gather(codebook, idx2)


def _stage_a(x3, W_in, b_in, codebook, *, T, KC):
    B, D, HW = x3.shape
    K, C = codebook.shape
    n_t = HW // T
    N = B * HW
    scale = _COMMITMENT / (N * C)
    body = functools.partial(_argmin_body, T=T, K=K, KC=KC, n_t=n_t, scale=scale)
    return pl.pallas_call(
        body,
        grid=(B, n_t),
        in_specs=[
            pl.BlockSpec((1, D, T), lambda b, t: (b, 0, t)),
            pl.BlockSpec((D, C), lambda b, t: (0, 0)),
            pl.BlockSpec((1, C), lambda b, t: (0, 0)),
            pl.BlockSpec((K, C), lambda b, t: (0, 0)),
        ],
        out_specs=[
            pl.BlockSpec((1, 1, T), lambda b, t: (b * n_t + t, 0, 0)),
            pl.BlockSpec(memory_space=pltpu.MemorySpace.SMEM),
        ],
        out_shape=[
            jax.ShapeDtypeStruct((B * n_t, 1, T), jnp.int32),
            jax.ShapeDtypeStruct((1,), jnp.float32),
        ],
    )(x3, W_in, b_in.reshape(1, C), codebook)


def _stage_c(q3, W_out, b_out, *, T):
    B, HW, C = q3.shape
    D = W_out.shape[1]
    n_t = HW // T
    return pl.pallas_call(
        _proj_out_body,
        grid=(B, n_t),
        in_specs=[
            pl.BlockSpec((1, T, C), lambda b, t: (b, t, 0)),
            pl.BlockSpec((C, D), lambda b, t: (0, 0)),
            pl.BlockSpec((D, 1), lambda b, t: (0, 0)),
        ],
        out_specs=pl.BlockSpec((1, D, T), lambda b, t: (b, 0, t)),
        out_shape=jax.ShapeDtypeStruct((B, D, HW), jnp.float32),
    )(q3, W_out, b_out.reshape(D, 1))


def kernel(x, W_in, b_in, codebook, W_out, b_out):
    B, D, H, W = x.shape
    HW = H * W
    N = B * HW
    K, C = codebook.shape
    T = 256
    KC = 2048

    x3 = x.reshape(B, D, HW)
    idx3, loss = _stage_a(x3, W_in, b_in, codebook, T=T, KC=KC)
    q = _sc_gather(codebook, idx3.reshape(N))
    out3 = _stage_c(q.reshape(B, HW, C), W_out, b_out, T=T)
    out = out3.reshape(B, D, H, W)
    return out, idx3.reshape(B, HW), loss[0]

# --- scband reference (transcript-rebuilt; emitter-appended) ---
"""Pipeline reference for scband-vector-quantizer-29463475651259 (READ-ONLY COPY).

The authoritative reference and input builder live on the scoring server;
editing this copy changes nothing except your own understanding.
"""

import jax, jax.numpy as jnp
import numpy as np

INPUT_DIM = 384
CODE_DIM = 32
K = 8192
COMMITMENT = 1.0


def setup_inputs(seed: int = 0) -> dict:
    key = jax.random.key(seed)
    ks = jax.random.split(key, 6)
    x = jax.random.normal(ks[0], (8, INPUT_DIM, 32, 32), dtype=jnp.float32)
    W_in = jax.random.normal(ks[1], (INPUT_DIM, CODE_DIM), dtype=jnp.float32) * (1.0 / np.sqrt(INPUT_DIM))
    b_in = jnp.zeros((CODE_DIM,), dtype=jnp.float32)
    codebook = jax.random.normal(ks[2], (K, CODE_DIM), dtype=jnp.float32)
    W_out = jax.random.normal(ks[3], (CODE_DIM, INPUT_DIM), dtype=jnp.float32) * (1.0 / np.sqrt(CODE_DIM))
    b_out = jnp.zeros((INPUT_DIM,), dtype=jnp.float32)
    return {"x": x, "W_in": W_in, "b_in": b_in, "codebook": codebook, "W_out": W_out, "b_out": b_out}


def reference(x, W_in, b_in, codebook, W_out, b_out):
    B, D, H, W = x.shape
    # rearrange 'b d h w -> b (h w) d'
    z = jnp.transpose(x, (0, 2, 3, 1)).reshape(B, H * W, D)
    # project_in
    z = z @ W_in + b_in
    # codebook nearest-neighbor lookup
    d2 = jnp.sum(z * z, axis=-1, keepdims=True) - 2.0 * (z @ codebook.T) + jnp.sum(codebook * codebook, axis=-1)
    indices = jnp.argmin(d2, axis=-1)
    quantized = jnp.take(codebook, indices, axis=0)
    # training path: commitment loss + straight-through estimator
    commitment_loss = jnp.mean((jax.lax.stop_gradient(quantized) - z) ** 2) * COMMITMENT
    quantized = z + jax.lax.stop_gradient(quantized - z)
    # project_out
    out = quantized @ W_out + b_out
    # rearrange 'b (h w) d -> b d h w'
    out = jnp.transpose(out.reshape(B, H, W, D), (0, 3, 1, 2))
    return out, indices, commitment_loss

if __name__ == "__main__":
    import jax
    _d = setup_inputs()
    print(jax.jit(kernel)(*tuple(_d.values())))

</pallas_src>

<mosaic_0001>
#map = affine_map<(d0, d1) -> (0, 0)>
module attributes {stable_mosaic.version = 14 : i64} {
  func.func @gather(%arg0: i32, %arg1: i32, %arg2: memref<8192x32xf32, #tpu.memory_space<hbm>>, %arg3: memref<64x128xi32, #tpu.memory_space<hbm>>, %arg4: memref<8192x32xf32, #tpu.memory_space<hbm>>, %arg5: memref<2x128xi32, #tpu.memory_space<vmem>>, %arg6: memref<256x32xf32, #tpu.memory_space<vmem>>, %arg7: memref<!tpu.dma_semaphore, #tpu.memory_space<semaphore_mem>>) attributes {dimension_semantics = [#tpu.dimension_semantics<core_parallel>, #tpu.dimension_semantics<subcore_parallel>], iteration_bounds = array<i64: 2, 16>, scalar_prefetch = 0 : i64, scratch_operands = 3 : i64, tpu.core_type = #tpu.core_type<sc_vector_subcore>, window_params = [{transform_indices = #map}, {transform_indices = #map}, {transform_indices = #map}]} {
    %mul3A = arith.constant 2 : i32
    %mul3A_0 = arith.muli %arg1, %mul3A : i32
    %add3A = arith.addi %mul3A_0, %arg0 : i32
    %mul3A_1 = arith.constant 256 : i32
    %mul3A_2 = arith.muli %add3A, %mul3A_1 : i32
    %mul3A_3 = arith.constant 2 : i32
    %mul3A_4 = arith.muli %add3A, %mul3A_3 : i32
    "tpu.region"() ({
      %run_scoped3A = tpu.sem_alloc : memref<!tpu.dma_semaphore, #tpu.memory_space<semaphore_mem>>
      %dma_start3A_43 = arith.constant 0 : i32
      %dma_start3A_44 = tpu.memref_slice %arg3[%mul3A_4, %dma_start3A_43] : memref<64x128xi32, #tpu.memory_space<hbm>> -> memref<2x128xi32, #tpu.memory_space<hbm>>
      %dma_start3A_45 = arith.constant 0 : i32
      %dma_start3A_46 = tpu.memref_slice %arg3[%mul3A_4, %dma_start3A_45] : memref<64x128xi32, #tpu.memory_space<hbm>> -> memref<2x128xi32, #tpu.memory_space<hbm>>
      tpu.enqueue_dma source(%dma_start3A_46 : memref<2x128xi32, #tpu.memory_space<hbm>>) target(%arg5 : memref<2x128xi32, #tpu.memory_space<vmem>>) target_semaphore(%run_scoped3A : memref<!tpu.dma_semaphore, #tpu.memory_space<semaphore_mem>>)
      %dma_wait3A_47 = arith.constant 0 : i32
      %dma_wait3A_48 = tpu.memref_slice %arg3[%mul3A_4, %dma_wait3A_47] : memref<64x128xi32, #tpu.memory_space<hbm>> -> memref<2x128xi32, #tpu.memory_space<hbm>>
      %dma_wait3A_49 = arith.constant 0 : i32
      %dma_wait3A_50 = tpu.memref_slice %arg3[%mul3A_4, %dma_wait3A_49] : memref<64x128xi32, #tpu.memory_space<hbm>> -> memref<2x128xi32, #tpu.memory_space<hbm>>
      tpu.wait_dma2 semaphore(%run_scoped3A : memref<!tpu.dma_semaphore, #tpu.memory_space<semaphore_mem>>) src(%dma_wait3A_50 : memref<2x128xi32, #tpu.memory_space<hbm>>) dst(%arg5 : memref<2x128xi32, #tpu.memory_space<vmem>>)
      tpu.yield
    }) : () -> ()
    %dma_start3A = arith.constant 0 : i32
    %dma_start3A_5 = arith.constant 0 : i32
    %dma_start3A_6 = arith.constant 0 : i32
    %dma_start3A_7 = tpu.memref_slice %arg6[%dma_start3A_5, %dma_start3A_6] : memref<256x32xf32, #tpu.memory_space<vmem>> -> memref<128x32xf32, #tpu.memory_space<vmem>>
    %dma_start3A_8 = arith.constant 0 : i32
    %dma_start3A_9 = tpu.memref_slice %arg5[%dma_start3A, %dma_start3A_8] : memref<2x128xi32, #tpu.memory_space<vmem>> -> memref<1x128xi32, #tpu.memory_space<vmem>>
    %dma_start3A_10 = tpu.memref_squeeze %dma_start3A_9 : memref<1x128xi32, #tpu.memory_space<vmem>> -> memref<128xi32, #tpu.memory_space<vmem>>
    %dma_start3A_11 = arith.constant 0 : i32
    %dma_start3A_12 = arith.constant 0 : i32
    %dma_start3A_13 = tpu.memref_slice %arg2[%dma_start3A_11, %dma_start3A_12] : memref<8192x32xf32, #tpu.memory_space<hbm>> -> memref<8192x32xf32, #tpu.memory_space<hbm>>
    tpu.enqueue_indirect_dma source(%dma_start3A_13 : memref<8192x32xf32, #tpu.memory_space<hbm>>) target(%dma_start3A_7 : memref<128x32xf32, #tpu.memory_space<vmem>>) offsets(%dma_start3A_10 : memref<128xi32, #tpu.memory_space<vmem>>) semaphore(%arg7 : memref<!tpu.dma_semaphore, #tpu.memory_space<semaphore_mem>>)
    %dma_start3A_14 = arith.constant 1 : i32
    %dma_start3A_15 = arith.constant 128 : i32
    %dma_start3A_16 = arith.constant 0 : i32
    %dma_start3A_17 = tpu.memref_slice %arg6[%dma_start3A_15, %dma_start3A_16] : memref<256x32xf32, #tpu.memory_space<vmem>> -> memref<128x32xf32, #tpu.memory_space<vmem>>
    %dma_start3A_18 = arith.constant 0 : i32
    %dma_start3A_19 = tpu.memref_slice %arg5[%dma_start3A_14, %dma_start3A_18] : memref<2x128xi32, #tpu.memory_space<vmem>> -> memref<1x128xi32, #tpu.memory_space<vmem>>
    %dma_start3A_20 = tpu.memref_squeeze %dma_start3A_19 : memref<1x128xi32, #tpu.memory_space<vmem>> -> memref<128xi32, #tpu.memory_space<vmem>>
    %dma_start3A_21 = arith.constant 0 : i32
    %dma_start3A_22 = arith.constant 0 : i32
    %dma_start3A_23 = tpu.memref_slice %arg2[%dma_start3A_21, %dma_start3A_22] : memref<8192x32xf32, #tpu.memory_space<hbm>> -> memref<8192x32xf32, #tpu.memory_space<hbm>>
    tpu.enqueue_indirect_dma source(%dma_start3A_23 : memref<8192x32xf32, #tpu.memory_space<hbm>>) target(%dma_start3A_17 : memref<128x32xf32, #tpu.memory_space<vmem>>) offsets(%dma_start3A_20 : memref<128xi32, #tpu.memory_space<vmem>>) semaphore(%arg7 : memref<!tpu.dma_semaphore, #tpu.memory_space<semaphore_mem>>)
    %dma_wait3A = arith.constant 0 : i32
    %dma_wait3A_24 = arith.constant 0 : i32
    %dma_wait3A_25 = arith.constant 0 : i32
    %dma_wait3A_26 = tpu.memref_slice %arg6[%dma_wait3A_24, %dma_wait3A_25] : memref<256x32xf32, #tpu.memory_space<vmem>> -> memref<128x32xf32, #tpu.memory_space<vmem>>
    %dma_wait3A_27 = arith.constant 0 : i32
    %dma_wait3A_28 = tpu.memref_slice %arg5[%dma_wait3A, %dma_wait3A_27] : memref<2x128xi32, #tpu.memory_space<vmem>> -> memref<1x128xi32, #tpu.memory_space<vmem>>
    %dma_wait3A_29 = tpu.memref_squeeze %dma_wait3A_28 : memref<1x128xi32, #tpu.memory_space<vmem>> -> memref<128xi32, #tpu.memory_space<vmem>>
    %dma_wait3A_30 = arith.constant 0 : i32
    %dma_wait3A_31 = arith.constant 0 : i32
    %dma_wait3A_32 = tpu.memref_slice %arg2[%dma_wait3A_30, %dma_wait3A_31] : memref<8192x32xf32, #tpu.memory_space<hbm>> -> memref<8192x32xf32, #tpu.memory_space<hbm>>
    tpu.wait_indirect_dma semaphore(%arg7 : memref<!tpu.dma_semaphore, #tpu.memory_space<semaphore_mem>>) src(%dma_wait3A_32 : memref<8192x32xf32, #tpu.memory_space<hbm>>) dst(%dma_wait3A_26 : memref<128x32xf32, #tpu.memory_space<vmem>>)
    %dma_wait3A_33 = arith.constant 1 : i32
    %dma_wait3A_34 = arith.constant 128 : i32
    %dma_wait3A_35 = arith.constant 0 : i32
    %dma_wait3A_36 = tpu.memref_slice %arg6[%dma_wait3A_34, %dma_wait3A_35] : memref<256x32xf32, #tpu.memory_space<vmem>> -> memref<128x32xf32, #tpu.memory_space<vmem>>
    %dma_wait3A_37 = arith.constant 0 : i32
    %dma_wait3A_38 = tpu.memref_slice %arg5[%dma_wait3A_33, %dma_wait3A_37] : memref<2x128xi32, #tpu.memory_space<vmem>> -> memref<1x128xi32, #tpu.memory_space<vmem>>
    %dma_wait3A_39 = tpu.memref_squeeze %dma_wait3A_38 : memref<1x128xi32, #tpu.memory_space<vmem>> -> memref<128xi32, #tpu.memory_space<vmem>>
    %dma_wait3A_40 = arith.constant 0 : i32
    %dma_wait3A_41 = arith.constant 0 : i32
    %dma_wait3A_42 = tpu.memref_slice %arg2[%dma_wait3A_40, %dma_wait3A_41] : memref<8192x32xf32, #tpu.memory_space<hbm>> -> memref<8192x32xf32, #tpu.memory_space<hbm>>
    tpu.wait_indirect_dma semaphore(%arg7 : memref<!tpu.dma_semaphore, #tpu.memory_space<semaphore_mem>>) src(%dma_wait3A_42 : memref<8192x32xf32, #tpu.memory_space<hbm>>) dst(%dma_wait3A_36 : memref<128x32xf32, #tpu.memory_space<vmem>>)
    "tpu.region"() ({
      %run_scoped3A = tpu.sem_alloc : memref<!tpu.dma_semaphore, #tpu.memory_space<semaphore_mem>>
      %dma_start3A_43 = arith.constant 0 : i32
      %dma_start3A_44 = tpu.memref_slice %arg4[%mul3A_2, %dma_start3A_43] : memref<8192x32xf32, #tpu.memory_space<hbm>> -> memref<256x32xf32, #tpu.memory_space<hbm>>
      %dma_start3A_45 = arith.constant 0 : i32
      %dma_start3A_46 = tpu.memref_slice %arg4[%mul3A_2, %dma_start3A_45] : memref<8192x32xf32, #tpu.memory_space<hbm>> -> memref<256x32xf32, #tpu.memory_space<hbm>>
      tpu.enqueue_dma source(%arg6 : memref<256x32xf32, #tpu.memory_space<vmem>>) target(%dma_start3A_46 : memref<256x32xf32, #tpu.memory_space<hbm>>) target_semaphore(%run_scoped3A : memref<!tpu.dma_semaphore, #tpu.memory_space<semaphore_mem>>)
      %dma_wait3A_47 = arith.constant 0 : i32
      %dma_wait3A_48 = tpu.memref_slice %arg4[%mul3A_2, %dma_wait3A_47] : memref<8192x32xf32, #tpu.memory_space<hbm>> -> memref<256x32xf32, #tpu.memory_space<hbm>>
      %dma_wait3A_49 = arith.constant 0 : i32
      %dma_wait3A_50 = tpu.memref_slice %arg4[%mul3A_2, %dma_wait3A_49] : memref<8192x32xf32, #tpu.memory_space<hbm>> -> memref<256x32xf32, #tpu.memory_space<hbm>>
      tpu.wait_dma2 semaphore(%run_scoped3A : memref<!tpu.dma_semaphore, #tpu.memory_space<semaphore_mem>>) src(%arg6 : memref<256x32xf32, #tpu.memory_space<vmem>>) dst(%dma_wait3A_50 : memref<256x32xf32, #tpu.memory_space<hbm>>)
      tpu.yield
    }) : () -> ()
    return
  }
}

module attributes {stable_mosaic.version = 14 : i64} {
  func.func @_argmin_body(%arg0: i32, %arg1: i32, %arg2: memref<1x384x256xf32, #tpu.memory_space<vmem>>, %arg3: memref<384x32xf32, #tpu.memory_space<vmem>>, %arg4: memref<1x32xf32, #tpu.memory_space<vmem>>, %arg5: memref<8192x32xf32, #tpu.memory_space<vmem>>, %arg6: memref<1x1x256xi32, #tpu.memory_space<vmem>>, %arg7: memref<1xf32, #tpu.memory_space<smem>>) attributes {dimension_semantics = [#tpu.dimension_semantics<arbitrary>, #tpu.dimension_semantics<arbitrary>], iteration_bounds = array<i64: 8, 4>, scalar_prefetch = 0 : i64, scratch_operands = 0 : i64, tpu.core_type = #tpu.core_type<tc>, window_params = [{transform_indices = @transform_0, window_bounds = array<i64: 1, 384, 256>}, {pipeline_mode = #tpu.pipeline_mode<synchronous>, transform_indices = @transform_1, window_bounds = array<i64: 384, 32>}, {pipeline_mode = #tpu.pipeline_mode<synchronous>, transform_indices = @transform_2, window_bounds = array<i64: 1, 32>}, {pipeline_mode = #tpu.pipeline_mode<synchronous>, transform_indices = @transform_3, window_bounds = array<i64: 8192, 32>}, {transform_indices = @transform_4, window_bounds = array<i64: 1, 1, 256>}, {transform_indices = @transform_5, window_bounds = array<i64: 1>}]} {
    %get3A = arith.constant 0 : index
    %get3A_0 = arith.constant 0 : index
    %get3A_1 = arith.constant 0 : index
    %get3A_2 = vector.load %arg2[%get3A, %get3A_0, %get3A_1] : memref<1x384x256xf32, #tpu.memory_space<vmem>>, vector<1x384x256xf32>
    %get3A_3 = vector.shape_cast %get3A_2 : vector<1x384x256xf32> to vector<384x256xf32>
    %get3A_4 = arith.constant 0 : index
    %get3A_5 = arith.constant 0 : index
    %get3A_6 = vector.load %arg3[%get3A_4, %get3A_5] : memref<384x32xf32, #tpu.memory_space<vmem>>, vector<384x32xf32>
    %dot_general3A = arith.constant dense<0.000000e+00> : vector<256x32xf32>
    %dot_general3A_7 = tpu.matmul %get3A_3, %get3A_6, %dot_general3A {dimension_numbers = #tpu.dot_dimension_numbers<[0], [0], [1], [1], [0, 1, 1, 1], [], []>, transpose_lhs_hint = false} : vector<384x256xf32>, vector<384x32xf32>, vector<256x32xf32> -> vector<256x32xf32>
    %get3A_8 = arith.constant 0 : index
    %get3A_9 = arith.constant 0 : index
    %get3A_10 = vector.load %arg4[%get3A_8, %get3A_9] : memref<1x32xf32, #tpu.memory_space<vmem>>, vector<1x32xf32>
    %add3A = vector.broadcast %get3A_10 : vector<1x32xf32> to vector<256x32xf32>
    %add3A_11 = arith.addf %dot_general3A_7, %add3A : vector<256x32xf32>
    %mul3A = arith.mulf %add3A_11, %add3A_11 : vector<256x32xf32>
    %reduce_sum3A = arith.constant dense<0.000000e+00> : vector<256xf32>
    %reduce_sum3A_12 = vector.multi_reduction <add>, %mul3A, %reduce_sum3A [1] : vector<256x32xf32> to vector<256xf32>
    %broadcast_in_dim3A = vector.shape_cast %reduce_sum3A_12 : vector<256xf32> to vector<256x1xf32>
    %get3A_13 = arith.constant 0 : index
    %get3A_14 = arith.constant 0 : index
    %get3A_15 = vector.load %arg5[%get3A_13, %get3A_14] : memref<8192x32xf32, #tpu.memory_space<vmem>>, vector<2048x32xf32>
    %dot_general3A_16 = arith.constant dense<0.000000e+00> : vector<256x2048xf32>
    %dot_general3A_17 = tpu.matmul %add3A_11, %get3A_15, %dot_general3A_16 {dimension_numbers = #tpu.dot_dimension_numbers<[1], [1], [0], [0], [0, 0, 1, 0], [], []>, transpose_lhs_hint = false} : vector<256x32xf32>, vector<2048x32xf32>, vector<256x2048xf32> -> vector<256x2048xf32>
    %mul3A_18 = arith.mulf %get3A_15, %get3A_15 : vector<2048x32xf32>
    %reduce_sum3A_19 = arith.constant dense<0.000000e+00> : vector<2048xf32>
    %reduce_sum3A_20 = vector.multi_reduction <add>, %mul3A_18, %reduce_sum3A_19 [1] : vector<2048x32xf32> to vector<2048xf32>
    %mul3A_21 = arith.constant 2.000000e+00 : f32
    %mul3A_22 = vector.broadcast %mul3A_21 : f32 to vector<256x2048xf32>
    %mul3A_23 = arith.mulf %mul3A_22, %dot_general3A_17 : vector<256x2048xf32>
    %sub3A = vector.broadcast %broadcast_in_dim3A : vector<256x1xf32> to vector<256x2048xf32>
    %sub3A_24 = arith.subf %sub3A, %mul3A_23 : vector<256x2048xf32>
    %broadcast_in_dim3A_25 = vector.shape_cast %reduce_sum3A_20 : vector<2048xf32> to vector<1x2048xf32>
    %add3A_26 = vector.broadcast %broadcast_in_dim3A_25 : vector<1x2048xf32> to vector<256x2048xf32>
    %add3A_27 = arith.addf %sub3A_24, %add3A_26 : vector<256x2048xf32>
    %reduce_min3A = arith.constant dense<0x7F800000> : vector<256xf32>
    %reduce_min3A_28 = vector.multi_reduction <minimumf>, %add3A_27, %reduce_min3A [1] : vector<256x2048xf32> to vector<256xf32>
    %broadcast_in_dim3A_29 = vector.shape_cast %reduce_min3A_28 : vector<256xf32> to vector<256x1xf32>
    %iota3A = tpu.iota {dimensions = array<i32: 1>} : vector<256x2048xi32>
    %add3A_30 = arith.constant 0 : i32
    %add3A_31 = vector.broadcast %add3A_30 : i32 to vector<256x2048xi32>
    %add3A_32 = arith.addi %iota3A, %add3A_31 : vector<256x2048xi32>
    %eq3A = vector.broadcast %broadcast_in_dim3A_29 : vector<256x1xf32> to vector<256x2048xf32>
    %eq3A_33 = arith.cmpf oeq, %add3A_27, %eq3A : vector<256x2048xf32>
    %jit3A = arith.constant 8192 : i32
    %broadcast_in_dim3A_34 = vector.broadcast %jit3A : i32 to vector<256x2048xi32>
    %select_n3A = arith.select %eq3A_33, %add3A_32, %broadcast_in_dim3A_34 : vector<256x2048xi1>, vector<256x2048xi32>
    %reduce_min3A_35 = arith.constant dense<2147483647> : vector<256xi32>
    %reduce_min3A_36 = vector.multi_reduction <minsi>, %select_n3A, %reduce_min3A_35 [1] : vector<256x2048xi32> to vector<256xi32>
    %broadcast_in_dim3A_37 = vector.shape_cast %reduce_min3A_36 : vector<256xi32> to vector<256x1xi32>
    %get3A_38 = arith.constant 2048 : index
    %get3A_39 = arith.constant 0 : index
    %get3A_40 = vector.load %arg5[%get3A_38, %get3A_39] : memref<8192x32xf32, #tpu.memory_space<vmem>>, vector<2048x32xf32>
    %dot_general3A_41 = arith.constant dense<0.000000e+00> : vector<256x2048xf32>
    %dot_general3A_42 = tpu.matmul %add3A_11, %get3A_40, %dot_general3A_41 {dimension_numbers = #tpu.dot_dimension_numbers<[1], [1], [0], [0], [0, 0, 1, 0], [], []>, transpose_lhs_hint = false} : vector<256x32xf32>, vector<2048x32xf32>, vector<256x2048xf32> -> vector<256x2048xf32>
    %mul3A_43 = arith.mulf %get3A_40, %get3A_40 : vector<2048x32xf32>
    %reduce_sum3A_44 = arith.constant dense<0.000000e+00> : vector<2048xf32>
    %reduce_sum3A_45 = vector.multi_reduction <add>, %mul3A_43, %reduce_sum3A_44 [1] : vector<2048x32xf32> to vector<2048xf32>
    %mul3A_46 = arith.constant 2.000000e+00 : f32
    %mul3A_47 = vector.broadcast %mul3A_46 : f32 to vector<256x2048xf32>
    %mul3A_48 = arith.mulf %mul3A_47, %dot_general3A_42 : vector<256x2048xf32>
    %sub3A_49 = vector.broadcast %broadcast_in_dim3A : vector<256x1xf32> to vector<256x2048xf32>
    %sub3A_50 = arith.subf %sub3A_49, %mul3A_48 : vector<256x2048xf32>
    %broadcast_in_dim3A_51 = vector.shape_cast %reduce_sum3A_45 : vector<2048xf32> to vector<1x2048xf32>
    %add3A_52 = vector.broadcast %broadcast_in_dim3A_51 : vector<1x2048xf32> to vector<256x2048xf32>
    %add3A_53 = arith.addf %sub3A_50, %add3A_52 : vector<256x2048xf32>
    %reduce_min3A_54 = arith.constant dense<0x7F800000> : vector<256xf32>
    %reduce_min3A_55 = vector.multi_reduction <minimumf>, %add3A_53, %reduce_min3A_54 [1] : vector<256x2048xf32> to vector<256xf32>
    %broadcast_in_dim3A_56 = vector.shape_cast %reduce_min3A_55 : vector<256xf32> to vector<256x1xf32>
    %iota3A_57 = tpu.iota {dimensions = array<i32: 1>} : vector<256x2048xi32>
    %add3A_58 = arith.constant 2048 : i32
    %add3A_59 = vector.broadcast %add3A_58 : i32 to vector<256x2048xi32>
    %add3A_60 = arith.addi %iota3A_57, %add3A_59 : vector<256x2048xi32>
    %eq3A_61 = vector.broadcast %broadcast_in_dim3A_56 : vector<256x1xf32> to vector<256x2048xf32>
    %eq3A_62 = arith.cmpf oeq, %add3A_53, %eq3A_61 : vector<256x2048xf32>
    %jit3A_63 = arith.constant 8192 : i32
    %broadcast_in_dim3A_64 = vector.broadcast %jit3A_63 : i32 to vector<256x2048xi32>
    %select_n3A_65 = arith.select %eq3A_62, %add3A_60, %broadcast_in_dim3A_64 : vector<256x2048xi1>, vector<256x2048xi32>
    %reduce_min3A_66 = arith.constant dense<2147483647> : vector<256xi32>
    %reduce_min3A_67 = vector.multi_reduction <minsi>, %select_n3A_65, %reduce_min3A_66 [1] : vector<256x2048xi32> to vector<256xi32>
    %broadcast_in_dim3A_68 = vector.shape_cast %reduce_min3A_67 : vector<256xi32> to vector<256x1xi32>
    %lt3A = arith.cmpf olt, %broadcast_in_dim3A_56, %broadcast_in_dim3A_29 : vector<256x1xf32>
    %select_n3A_69 = arith.select %lt3A, %broadcast_in_dim3A_56, %broadcast_in_dim3A_29 : vector<256x1xi1>, vector<256x1xf32>
    %select_n3A_70 = arith.select %lt3A, %broadcast_in_dim3A_68, %broadcast_in_dim3A_37 : vector<256x1xi1>, vector<256x1xi32>
    %get3A_71 = arith.constant 4096 : index
    %get3A_72 = arith.constant 0 : index
    %get3A_73 = vector.load %arg5[%get3A_71, %get3A_72] : memref<8192x32xf32, #tpu.memory_space<vmem>>, vector<2048x32xf32>
    %dot_general3A_74 = arith.constant dense<0.000000e+00> : vector<256x2048xf32>
    %dot_general3A_75 = tpu.matmul %add3A_11, %get3A_73, %dot_general3A_74 {dimension_numbers = #tpu.dot_dimension_numbers<[1], [1], [0], [0], [0, 0, 1, 0], [], []>, transpose_lhs_hint = false} : vector<256x32xf32>, vector<2048x32xf32>, vector<256x2048xf32> -> vector<256x2048xf32>
    %mul3A_76 = arith.mulf %get3A_73, %get3A_73 : vector<2048x32xf32>
    %reduce_sum3A_77 = arith.constant dense<0.000000e+00> : vector<2048xf32>
    %reduce_sum3A_78 = vector.multi_reduction <add>, %mul3A_76, %reduce_sum3A_77 [1] : vector<2048x32xf32> to vector<2048xf32>
    %mul3A_79 = arith.constant 2.000000e+00 : f32
    %mul3A_80 = vector.broadcast %mul3A_79 : f32 to vector<256x2048xf32>
    %mul3A_81 = arith.mulf %mul3A_80, %dot_general3A_75 : vector<256x2048xf32>
    %sub3A_82 = vector.broadcast %broadcast_in_dim3A : vector<256x1xf32> to vector<256x2048xf32>
    %sub3A_83 = arith.subf %sub3A_82, %mul3A_81 : vector<256x2048xf32>
    %broadcast_in_dim3A_84 = vector.shape_cast %reduce_sum3A_78 : vector<2048xf32> to vector<1x2048xf32>
    %add3A_85 = vector.broadcast %broadcast_in_dim3A_84 : vector<1x2048xf32> to vector<256x2048xf32>
    %add3A_86 = arith.addf %sub3A_83, %add3A_85 : vector<256x2048xf32>
    %reduce_min3A_87 = arith.constant dense<0x7F800000> : vector<256xf32>
    %reduce_min3A_88 = vector.multi_reduction <minimumf>, %add3A_86, %reduce_min3A_87 [1] : vector<256x2048xf32> to vector<256xf32>
    %broadcast_in_dim3A_89 = vector.shape_cast %reduce_min3A_88 : vector<256xf32> to vector<256x1xf32>
    %iota3A_90 = tpu.iota {dimensions = array<i32: 1>} : vector<256x2048xi32>
    %add3A_91 = arith.constant 4096 : i32
    %add3A_92 = vector.broadcast %add3A_91 : i32 to vector<256x2048xi32>
    %add3A_93 = arith.addi %iota3A_90, %add3A_92 : vector<256x2048xi32>
    %eq3A_94 = vector.broadcast %broadcast_in_dim3A_89 : vector<256x1xf32> to vector<256x2048xf32>
    %eq3A_95 = arith.cmpf oeq, %add3A_86, %eq3A_94 : vector<256x2048xf32>
    %jit3A_96 = arith.constant 8192 : i32
    %broadcast_in_dim3A_97 = vector.broadcast %jit3A_96 : i32 to vector<256x2048xi32>
    %select_n3A_98 = arith.select %eq3A_95, %add3A_93, %broadcast_in_dim3A_97 : vector<256x2048xi1>, vector<256x2048xi32>
    %reduce_min3A_99 = arith.constant dense<2147483647> : vector<256xi32>
    %reduce_min3A_100 = vector.multi_reduction <minsi>, %select_n3A_98, %reduce_min3A_99 [1] : vector<256x2048xi32> to vector<256xi32>
    %broadcast_in_dim3A_101 = vector.shape_cast %reduce_min3A_100 : vector<256xi32> to vector<256x1xi32>
    %lt3A_102 = arith.cmpf olt, %broadcast_in_dim3A_89, %select_n3A_69 : vector<256x1xf32>
    %select_n3A_103 = arith.select %lt3A_102, %broadcast_in_dim3A_89, %select_n3A_69 : vector<256x1xi1>, vector<256x1xf32>
    %select_n3A_104 = arith.select %lt3A_102, %broadcast_in_dim3A_101, %select_n3A_70 : vector<256x1xi1>, vector<256x1xi32>
    %get3A_105 = arith.constant 6144 : index
    %get3A_106 = arith.constant 0 : index
    %get3A_107 = vector.load %arg5[%get3A_105, %get3A_106] : memref<8192x32xf32, #tpu.memory_space<vmem>>, vector<2048x32xf32>
    %dot_general3A_108 = arith.constant dense<0.000000e+00> : vector<256x2048xf32>
    %dot_general3A_109 = tpu.matmul %add3A_11, %get3A_107, %dot_general3A_108 {dimension_numbers = #tpu.dot_dimension_numbers<[1], [1], [0], [0], [0, 0, 1, 0], [], []>, transpose_lhs_hint = false} : vector<256x32xf32>, vector<2048x32xf32>, vector<256x2048xf32> -> vector<256x2048xf32>
    %mul3A_110 = arith.mulf %get3A_107, %get3A_107 : vector<2048x32xf32>
    %reduce_sum3A_111 = arith.constant dense<0.000000e+00> : vector<2048xf32>
    %reduce_sum3A_112 = vector.multi_reduction <add>, %mul3A_110, %reduce_sum3A_111 [1] : vector<2048x32xf32> to vector<2048xf32>
    %mul3A_113 = arith.constant 2.000000e+00 : f32
    %mul3A_114 = vector.broadcast %mul3A_113 : f32 to vector<256x2048xf32>
    %mul3A_115 = arith.mulf %mul3A_114, %dot_general3A_109 : vector<256x2048xf32>
    %sub3A_116 = vector.broadcast %broadcast_in_dim3A : vector<256x1xf32> to vector<256x2048xf32>
    %sub3A_117 = arith.subf %sub3A_116, %mul3A_115 : vector<256x2048xf32>
    %broadcast_in_dim3A_118 = vector.shape_cast %reduce_sum3A_112 : vector<2048xf32> to vector<1x2048xf32>
    %add3A_119 = vector.broadcast %broadcast_in_dim3A_118 : vector<1x2048xf32> to vector<256x2048xf32>
    %add3A_120 = arith.addf %sub3A_117, %add3A_119 : vector<256x2048xf32>
    %reduce_min3A_121 = arith.constant dense<0x7F800000> : vector<256xf32>
    %reduce_min3A_122 = vector.multi_reduction <minimumf>, %add3A_120, %reduce_min3A_121 [1] : vector<256x2048xf32> to vector<256xf32>
    %broadcast_in_dim3A_123 = vector.shape_cast %reduce_min3A_122 : vector<256xf32> to vector<256x1xf32>
    %iota3A_124 = tpu.iota {dimensions = array<i32: 1>} : vector<256x2048xi32>
    %add3A_125 = arith.constant 6144 : i32
    %add3A_126 = vector.broadcast %add3A_125 : i32 to vector<256x2048xi32>
    %add3A_127 = arith.addi %iota3A_124, %add3A_126 : vector<256x2048xi32>
    %eq3A_128 = vector.broadcast %broadcast_in_dim3A_123 : vector<256x1xf32> to vector<256x2048xf32>
    %eq3A_129 = arith.cmpf oeq, %add3A_120, %eq3A_128 : vector<256x2048xf32>
    %jit3A_130 = arith.constant 8192 : i32
    %broadcast_in_dim3A_131 = vector.broadcast %jit3A_130 : i32 to vector<256x2048xi32>
    %select_n3A_132 = arith.select %eq3A_129, %add3A_127, %broadcast_in_dim3A_131 : vector<256x2048xi1>, vector<256x2048xi32>
    %reduce_min3A_133 = arith.constant dense<2147483647> : vector<256xi32>
    %reduce_min3A_134 = vector.multi_reduction <minsi>, %select_n3A_132, %reduce_min3A_133 [1] : vector<256x2048xi32> to vector<256xi32>
    %broadcast_in_dim3A_135 = vector.shape_cast %reduce_min3A_134 : vector<256xi32> to vector<256x1xi32>
    %lt3A_136 = arith.cmpf olt, %broadcast_in_dim3A_123, %select_n3A_103 : vector<256x1xf32>
    %select_n3A_137 = arith.select %lt3A_136, %broadcast_in_dim3A_123, %select_n3A_103 : vector<256x1xi1>, vector<256x1xf32>
    %select_n3A_138 = arith.select %lt3A_136, %broadcast_in_dim3A_135, %select_n3A_104 : vector<256x1xi1>, vector<256x1xi32>
    %squeeze3A = vector.shape_cast %select_n3A_138 : vector<256x1xi32> to vector<256xi32>
    %swap3A = arith.constant 0 : index
    %swap3A_139 = arith.constant 0 : index
    %swap3A_140 = arith.constant 0 : index
    %swap3A_141 = vector.load %arg6[%swap3A, %swap3A_139, %swap3A_140] : memref<1x1x256xi32, #tpu.memory_space<vmem>>, vector<1x1x256xi32>
    %swap3A_142 = vector.shape_cast %swap3A_141 : vector<1x1x256xi32> to vector<256xi32>
    %swap3A_143 = vector.shape_cast %squeeze3A : vector<256xi32> to vector<1x1x256xi32>
    tpu.vector_store %arg6[%swap3A, %swap3A_139, %swap3A_140], %swap3A_143 {strides = array<i32>} : memref<1x1x256xi32, #tpu.memory_space<vmem>>, vector<1x1x256xi32>,
    %eq3A_144 = arith.constant 0 : i32
    %eq3A_145 = arith.cmpi eq, %arg0, %eq3A_144 : i32
    %eq3A_146 = arith.constant 0 : i32
    %eq3A_147 = arith.cmpi eq, %arg1, %eq3A_146 : i32
    %and3A = arith.andi %eq3A_145, %eq3A_147 : i1
    %convert_element_type3A = arith.extui %and3A : i1 to i32
    %cond3A = arith.constant 0 : i32
    %cond3A_148 = arith.cmpi ne, %convert_element_type3A, %cond3A : i32
    scf.if %cond3A_148 {
      %swap3A_161 = arith.constant 0.000000e+00 : f32
      %swap3A_162 = arith.constant 0 : index
      %swap3A_163 = memref.load %arg7[%swap3A_162] : memref<1xf32, #tpu.memory_space<smem>>
      memref.store %swap3A_161, %arg7[%swap3A_162] : memref<1xf32, #tpu.memory_space<smem>>
    } else {
    }
    %get3A_149 = arith.constant 0 : index
    %get3A_150 = memref.load %arg7[%get3A_149] : memref<1xf32, #tpu.memory_space<smem>>
    %reduce_sum3A_151 = vector.shape_cast %select_n3A_137 : vector<256x1xf32> to vector<1x256x1xf32>
    %reduce_sum3A_152 = arith.constant dense<0.000000e+00> : vector<1xf32>
    %reduce_sum3A_153 = vector.multi_reduction <add>, %reduce_sum3A_151, %reduce_sum3A_152 [1, 2] : vector<1x256x1xf32> to vector<1xf32>
    %reduce_sum3A_154 = vector.shape_cast %reduce_sum3A_153 : vector<1xf32> to vector<1x1x1xf32>
    %reduce_sum3A_155 = vector.extract %reduce_sum3A_154[0, 0, 0] : f32 from vector<1x1x1xf32>
    %mul3A_156 = arith.constant 3.81469727E-6 : f32
    %mul3A_157 = arith.mulf %reduce_sum3A_155, %mul3A_156 : f32
    %add3A_158 = arith.addf %get3A_150, %mul3A_157 : f32
    %swap3A_159 = arith.constant 0 : index
    %swap3A_160 = memref.load %arg7[%swap3A_159] : memref<1xf32, #tpu.memory_space<smem>>
    memref.store %add3A_158, %arg7[%swap3A_159] : memref<1xf32, #tpu.memory_space<smem>>
    return
  }
  func.func @transform_0(%arg0: i32, %arg1: i32) -> (i32, i32, i32) {
    %c0_i32 = arith.constant 0 : i32
    %c0_i32_0 = arith.constant 0 : i32
    return %arg0, %c0_i32, %arg1 : i32, i32, i32
  }
  func.func @transform_1(%arg0: i32, %arg1: i32) -> (i32, i32) {
    %c0_i32 = arith.constant 0 : i32
    %c0_i32_0 = arith.constant 0 : i32
    %c0_i32_1 = arith.constant 0 : i32
    return %c0_i32, %c0_i32_0 : i32, i32
  }
  func.func @transform_2(%arg0: i32, %arg1: i32) -> (i32, i32) {
    %c0_i32 = arith.constant 0 : i32
    %c0_i32_0 = arith.constant 0 : i32
    %c0_i32_1 = arith.constant 0 : i32
    return %c0_i32, %c0_i32_0 : i32, i32
  }
  func.func @transform_3(%arg0: i32, %arg1: i32) -> (i32, i32) {
    %c0_i32 = arith.constant 0 : i32
    %c0_i32_0 = arith.constant 0 : i32
    %c0_i32_1 = arith.constant 0 : i32
    return %c0_i32, %c0_i32_0 : i32, i32
  }
  func.func @transform_4(%arg0: i32, %arg1: i32) -> (i32, i32, i32) {
    %mul3A = arith.constant 4 : i32
    %mul3A_0 = arith.muli %arg0, %mul3A : i32
    %add3A = arith.addi %mul3A_0, %arg1 : i32
    %c0_i32 = arith.constant 0 : i32
    %c0_i32_1 = arith.constant 0 : i32
    %c0_i32_2 = arith.constant 0 : i32
    return %add3A, %c0_i32, %c0_i32_1 : i32, i32, i32
  }
  func.func @transform_5(%arg0: i32, %arg1: i32) -> i32 {
    %c0_i32 = arith.constant 0 : i32
    %c0_i32_0 = arith.constant 0 : i32
    return %c0_i32 : i32
  }
}

module attributes {stable_mosaic.version = 14 : i64} {
  func.func @_proj_out_body(%arg0: i32, %arg1: i32, %arg2: memref<1x256x32xf32, #tpu.memory_space<vmem>>, %arg3: memref<32x384xf32, #tpu.memory_space<vmem>>, %arg4: memref<384x1xf32, #tpu.memory_space<vmem>>, %arg5: memref<1x384x256xf32, #tpu.memory_space<vmem>>) attributes {dimension_semantics = [#tpu.dimension_semantics<arbitrary>, #tpu.dimension_semantics<arbitrary>], iteration_bounds = array<i64: 8, 4>, scalar_prefetch = 0 : i64, scratch_operands = 0 : i64, tpu.core_type = #tpu.core_type<tc>, window_params = [{transform_indices = @transform_0, window_bounds = array<i64: 1, 256, 32>}, {pipeline_mode = #tpu.pipeline_mode<synchronous>, transform_indices = @transform_1, window_bounds = array<i64: 32, 384>}, {pipeline_mode = #tpu.pipeline_mode<synchronous>, transform_indices = @transform_2, window_bounds = array<i64: 384, 1>}, {transform_indices = @transform_3, window_bounds = array<i64: 1, 384, 256>}]} {
    %get3A = arith.constant 0 : index
    %get3A_0 = arith.constant 0 : index
    %get3A_1 = arith.constant 0 : index
    %get3A_2 = vector.load %arg2[%get3A, %get3A_0, %get3A_1] : memref<1x256x32xf32, #tpu.memory_space<vmem>>, vector<1x256x32xf32>
    %get3A_3 = vector.shape_cast %get3A_2 : vector<1x256x32xf32> to vector<256x32xf32>
    %get3A_4 = arith.constant 0 : index
    %get3A_5 = arith.constant 0 : index
    %get3A_6 = vector.load %arg3[%get3A_4, %get3A_5] : memref<32x384xf32, #tpu.memory_space<vmem>>, vector<32x384xf32>
    %dot_general3A = arith.constant dense<0.000000e+00> : vector<384x256xf32>
    %dot_general3A_7 = tpu.matmul %get3A_6, %get3A_3, %dot_general3A {dimension_numbers = #tpu.dot_dimension_numbers<[0], [1], [1], [0], [0, 1, 1, 0], [], []>, transpose_lhs_hint = false} : vector<32x384xf32>, vector<256x32xf32>, vector<384x256xf32> -> vector<384x256xf32>
    %get3A_8 = arith.constant 0 : index
    %get3A_9 = arith.constant 0 : index
    %get3A_10 = vector.load %arg4[%get3A_8, %get3A_9] : memref<384x1xf32, #tpu.memory_space<vmem>>, vector<384x1xf32>
    %add3A = vector.broadcast %get3A_10 : vector<384x1xf32> to vector<384x256xf32>
    %add3A_11 = arith.addf %dot_general3A_7, %add3A : vector<384x256xf32>
    %swap3A = arith.constant 0 : index
    %swap3A_12 = arith.constant 0 : index
    %swap3A_13 = arith.constant 0 : index
    %swap3A_14 = vector.load %arg5[%swap3A, %swap3A_12, %swap3A_13] : memref<1x384x256xf32, #tpu.memory_space<vmem>>, vector<1x384x256xf32>
    %swap3A_15 = vector.shape_cast %swap3A_14 : vector<1x384x256xf32> to vector<384x256xf32>
    %swap3A_16 = vector.shape_cast %add3A_11 : vector<384x256xf32> to vector<1x384x256xf32>
    tpu.vector_store %arg5[%swap3A, %swap3A_12, %swap3A_13], %swap3A_16 {strides = array<i32>} : memref<1x384x256xf32, #tpu.memory_space<vmem>>, vector<1x384x256xf32>,
    return
  }
  func.func @transform_0(%arg0: i32, %arg1: i32) -> (i32, i32, i32) {
    %c0_i32 = arith.constant 0 : i32
    %c0_i32_0 = arith.constant 0 : i32
    return %arg0, %arg1, %c0_i32 : i32, i32, i32
  }
  func.func @transform_1(%arg0: i32, %arg1: i32) -> (i32, i32) {
    %c0_i32 = arith.constant 0 : i32
    %c0_i32_0 = arith.constant 0 : i32
    %c0_i32_1 = arith.constant 0 : i32
    return %c0_i32, %c0_i32_0 : i32, i32
  }
  func.func @transform_2(%arg0: i32, %arg1: i32) -> (i32, i32) {
    %c0_i32 = arith.constant 0 : i32
    %c0_i32_0 = arith.constant 0 : i32
    %c0_i32_1 = arith.constant 0 : i32
    return %c0_i32, %c0_i32_0 : i32, i32
  }
  func.func @transform_3(%arg0: i32, %arg1: i32) -> (i32, i32, i32) {
    %c0_i32 = arith.constant 0 : i32
    %c0_i32_0 = arith.constant 0 : i32
    return %arg0, %c0_i32, %arg1 : i32, i32, i32
  }
}

</mosaic_0001>

<sc_bundles>
// kernel: kernel.5.cloned.1.call-start
scs
__scs_entry_jumppad:
0x0: {  	(pc) =	sbr.rel $0x88, $3  }
0x1: {  	(tag) =	ssettag $0x0;
	lr =	simm.s32 $0x1  }
0x2: {  	[smem:$0x3F9B] =	sst lr;
	_ =	strace $0xD0000000  }
0x3: {  	_ = 	snop  }
0x4: {  	_ = 	snop  }
0x5: {  	_ = 	snop  }
0x6: {  	_ = 	snop  }
0x7: {  	_ = 	snop  }
__scs_overlays_trampoline_lowered:
0x8: {  	[smem:$0x3FAA] =	sst s0  }
0x9: {  	[smem:$0x3FAB] =	sst s1  }
0xa: {  	[smem:$0x3FAC] =	sst s2  }
0xb: {  	[smem:$0x3FAD] =	sst s3  }
0xc: {  	[smem:$0x3FAE] =	sst s4  }
0xd: {  	[smem:$0x3FAF] =	sst s5  }
0xe: {  	[smem:$0x3FB0] =	sst s6  }
0xf: {  	[smem:$0x3FB1] =	sst s7  }
0x10: {  	[smem:$0x3FB2] =	sst s8  }
0x11: {  	[smem:$0x3FB3] =	sst s9;
	s0 =	simm.s32 @!p0 $0x0  }
0x12: {  	s1 =	sld [smem:$0x3F99];
	s0 =	simm.s32 @p0 $0x1  }
0x13: {  	[smem:$0x3FB4] =	sst s0;
	s0 =	simm.s32 @!p1 $0x0  }
0x14: {  	s2 =	sld [smem:$0x3F98];
	s0 =	simm.s32 @p1 $0x1  }
0x15: {  	[smem:$0x3FB5] =	sst s0;
	s0 =	simm.s32 @!p2 $0x0  }
0x16: {  	s3 =	sld [smem:$0x3FDB];
	s0 =	simm.s32 @p2 $0x1  }
0x17: {  	s4 =	simm.s32 $0x1BF5;
	[smem:$0x3FB7] =	sst s0  }
0x18: {  	s0 =	sld [smem:$0x3F9A];
	_ =	swait.ge [sflag:s4], $0x0  }
0x19: {  	s7 =	sld [smem:$0x3F9B]  }
0x1a: {  	s8 =	sadd.s32 $0xFFFFE003, lr  }
0x1b: {  	s9 =	sadd.s32 $0xFFFFFEF7, lr;
	s5 =	simm.s32 $0xFFFFFFFF;
	p2 =	slt.u32 s8, $0xFFFFF086  }
0x1c: {  	p1 =	slt.u32 s9, $0xF7A;
	s5 =	simm.s32 @!p2 $0x0  }
0x1d: {  	s5 =	simm.s32 @p1 $0x1;
	p0 =	seq.s32 s7, s2  }
0x1e: {  	s7 =	smul.u32 @!p0 $0xF7A, s2;
	p2 =	seq.s32 @!p0 s5, $0x0  }
0x1f: {  	s9 =	smul.u32 $0xF7A, s1;
	s8 =	simm.s32 @!p0 $0x1BF5;
	p2 =	por !p2, p0  }
0x20: {  	[sflag:s8] =	ssyncset.s32 @!p0 $0xFFFFF086;
	s6 =	sadd.s32 @!p0 s3, s7;
	s7 =	simm.s32 @!p0 $0x108  }
0x21: {  	s3 =	sadd.s32 s3, s9;
	s6 =	sadd.s32 @!p0 $0x88, s6;
	s7 =	simm.s32 @p2 $0x1082  }
0x22: {  	[simem:s7], [sflag:s8] =	dma.local @!p0 [hbm:s6], $0xF7A  }
0x23: {  	s9 =	sor.u32 $0xD0000000, s2;
	s6 =	simm.s32 $0x108;
	_ =	swait.ge @!p0 [sflag:s8], $0x0  }
0x24: {  	s3 =	sadd.s32 $0x88, s3;
	s6 =	simm.s32 @!p1 $0x1082;
	[sflag:s4] =	ssyncset.s32 $0xFFFFF086  }
0x25: {  	[simem:s6], [sflag:s4] =	dma.local [hbm:s3], $0xF7A  }
0x26: {  	[smem:$0x3F9B] =	sst s1;
	(tag) =	ssettag s2;
	_ =	strace s9  }
0x27: {  	s1 =	sld [smem:$0x3FAB]  }
0x28: {  	s2 =	sld [smem:$0x3FAC]  }
0x29: {  	s4 =	sld [smem:$0x3FAE]  }
0x2a: {  	p0 =	seq.s32 s5, $0x0;
	s5 =	sld [smem:$0x3FAF]  }
0x2b: {  	s6 =	sld [smem:$0x3FB0]  }
0x2c: {  	s7 =	sld [smem:$0x3FB1]  }
0x2d: {  	s3 =	simm.s32 $0x108;
	s8 =	sld [smem:$0x3FB2]  }
0x2e: {  	s3 =	simm.s32 @!p0 $0x1082;
	s9 =	sld [smem:$0x3FB3]  }
0x2f: {  	lr =	sadd.s32 s0, s3;
	s0 =	sld [smem:$0x3FAA]  }
0x30: {  	s3 =	sld [smem:$0x3FAD]  }
0x31: {  	[smem:$0x3FB6] =	sst s10  }
0x32: {  	s10 =	sld [smem:$0x3FB4];
	_ =	sdelay $0x3  }
0x33: {  	p0 =	seq.s32 s10, $0x1;
	s10 =	sld [smem:$0x3FB6];
	_ =	sdelay $0x3  }
0x34: {  	[smem:$0x3FB6] =	sst s10  }
0x35: {  	s10 =	sld [smem:$0x3FB5];
	_ =	sdelay $0x3  }
0x36: {  	p1 =	seq.s32 s10, $0x1;
	s10 =	sld [smem:$0x3FB6];
	_ =	sdelay $0x3  }
0x37: {  	[smem:$0x3FB6] =	sst s10  }
0x38: {  	s10 =	sld [smem:$0x3FB7]  }
0x39: {  	_ = 	snop;
	(pc) =	sbr.ind lr, $3  }
0x3a: {  	_ = 	snop  }
0x3b: {  	_ = 	snop  }
0x3c: {  	p2 =	seq.s32 s10, $0x1;
	s10 =	sld [smem:$0x3FB6]  }
0x3d: {  	_ =	shalt  }
0x3e: {  	_ =	shalt  }
0x3f: {  	_ =	shalt  }
0x40: {  	_ =	shalt  }
0x41: {  	_ =	shalt  }
0x42: {  	_ =	shalt  }
0x43: {  	_ =	shalt  }
0x44: {  	_ =	shalt  }
0x45: {  	_ =	shalt  }
0x46: {  	_ =	shalt  }
0x47: {  	_ =	shalt  }
0x48: {  	_ =	shalt  }
0x49: {  	_ =	shalt  }
0x4a: {  	_ =	shalt  }
0x4b: {  	_ =	shalt  }
0x4c: {  	_ =	shalt  }
0x4d: {  	_ =	shalt  }
0x4e: {  	_ =	shalt  }
0x4f: {  	_ =	shalt  }
0x50: {  	_ =	shalt  }
0x51: {  	_ =	shalt  }
0x52: {  	_ =	shalt  }
0x53: {  	_ =	shalt  }
0x54: {  	_ =	shalt  }
0x55: {  	_ =	shalt  }
0x56: {  	_ =	shalt  }
0x57: {  	_ =	shalt  }
0x58: {  	_ =	shalt  }
0x59: {  	_ =	shalt  }
0x5a: {  	_ =	shalt  }
0x5b: {  	_ =	shalt  }
0x5c: {  	_ =	shalt  }
0x5d: {  	_ =	shalt  }
0x5e: {  	_ =	shalt  }
0x5f: {  	_ =	shalt  }
0x60: {  	_ =	shalt  }
0x61: {  	_ =	shalt  }
0x62: {  	_ =	shalt  }
0x63: {  	_ =	shalt  }
0x64: {  	_ =	shalt  }
0x65: {  	_ =	shalt  }
0x66: {  	_ =	shalt  }
0x67: {  	_ =	shalt  }
0x68: {  	_ =	shalt  }
0x69: {  	_ =	shalt  }
0x6a: {  	_ =	shalt  }
0x6b: {  	_ =	shalt  }
0x6c: {  	_ =	shalt  }
0x6d: {  	_ =	shalt  }
0x6e: {  	_ =	shalt  }
0x6f: {  	_ =	shalt  }
0x70: {  	_ =	shalt  }
0x71: {  	_ =	shalt  }
0x72: {  	_ =	shalt  }
0x73: {  	_ =	shalt  }
0x74: {  	_ =	shalt  }
0x75: {  	_ =	shalt  }
0x76: {  	_ =	shalt  }
0x77: {  	_ =	shalt  }
0x78: {  	_ =	shalt  }
0x79: {  	_ =	shalt  }
0x7a: {  	_ =	shalt  }
0x7b: {  	_ =	shalt  }
0x7c: {  	_ =	shalt  }
0x7d: {  	_ =	shalt  }
0x7e: {  	_ =	shalt  }
0x7f: {  	_ =	shalt  }
0x80: {  	_ =	shalt  }
0x81: {  	_ =	shalt  }
0x82: {  	_ =	shalt  }
0x83: {  	_ =	shalt  }
0x84: {  	_ =	shalt  }
0x85: {  	_ =	shalt  }
0x86: {  	_ =	shalt  }
0x87: {  	_ =	shalt  }
.Lfunc_end0:
.L_simem_size_0:
called_computation_lowered:
.L_overlay_start_0:
0x88: {  	s2 =	sld [smem:$0x3FD9]  }
0x89: {  	s3 =	sld [smem:$0x3FFE];
	_ =	sdelay $0x1  }
0x8a: {  	s1 =	srdreg.scid  }
0x8b: {  	s0 =	sand.u32 $0x1, s1  }
0x8c: {  	s14 =	sshll.u32 s0, $0xA;
	s2 =	sadd.s32 s3, s2  }
0x8d: {  	s2 =	sadd.s32 s2, s14  }
0x8e: {  	[smem:$0x3FC2] =	sst s2  }
0x8f: {  	_ = 	snop  }
0x90: {  	s2 =	sld [smem:$0x3FD0];
	_ =	sdelay $0x2  }
0x91: {  	s15 =	simm.s32 $0xA;
	s4 =	simm.s32 $0x10  }
0x92: {  	[smem:s4], [sflag:s15] =	dma.local [hbm:s2], $0x1  }
0x93: {  	_ =	swait.eq [sflag:s15], $0x1  }
0x94: {  	[sflag:s15] =	ssyncset.done $0x0  }
0x95: {  	[sflag:s15] =	ssyncadd.s32 $0xFFFFFFFF  }
0x96: {  	s16 =	sld [smem:$0x10];
	(tm) =	ssettm $0x1  }
0x97: {  	s17 =	sld [smem:$0x3FFB];
	_ =	sdelay $0x3  }
0x98: {  	_ =	strace s17  }
0x99: {  	s3 =	sld [smem:$0x3FFC];
	_ =	sdelay $0x3  }
0x9a: {  	_ =	strace s3  }
0x9b: {  	s3 =	sld [smem:$0x3FFD];
	_ =	sdelay $0x3  }
0x9c: {  	_ =	strace s3  }
0x9d: {  	_ =	strace $0x8FFFFFFF  }
0x9e: {  	s18 =	sld [smem:$0x3FDB];
	_ =	sdelay $0x1  }
0x9f: {  	s19 =	simm.s32 $_scs_section_size  }
0xa0: {  	s5 =	simm.s32 $_size__tile_overlayer_lowered;
	s6 =	simm.s32 $_tile_overlayer_lowered  }
0xa1: {  	s22 =	simm.s32 $0x1BFF;
	s21 =	sshll.u32 s6, $0x1;
	s3 =	sadd.s32 s19, s18  }
0xa2: {  	s7 =	simm.s32 $0x0;
	s20 =	sshll.u32 s5, $0x1;
	s5 =	sadd.s32 s21, s3  }
0xa3: {  	[timem:s7], [sflag:s22] =	dma.local [hbm:s5], s20  }
0xa4: {  	_ =	swait.ge [sflag:s22], s20  }
0xa5: {  	s4 =	ssub.s32 $0x0, s20;
	[sflag:s22] =	ssyncset.done $0x0  }
0xa6: {  	[sflag:s22] =	ssyncadd.s32 s4;
	_ =	sdelay $0x1  }
0xa7: {  	s23 =	simm.s32 $0x1B8B  }
0xa8: {  	_ =	swait.ge [sflag:s23], $0x1  }
0xa9: {  	[sflag:s23] =	ssyncset.done $0x0  }
0xaa: {  	s25 =	simm.s32 $0x1B8E;
	s24 =	sld [smem:$0x3FFE];
	[sflag:s23] =	ssyncadd.s32 $0xFFFFFFFF  }
0xab: {  	s26 =	simm.s32 $execute0_lowered;
	[smem:$0x3FD2] =	sst s25  }
0xac: {  	s5 =	sshll.u32 s26, $0x1;
	_ =	strace $0x80000046;
	[dreg:$0x1] =	wrdreg $0xFFFFFFFF  }
0xad: {  	s28 =	simm.s32 $_size_execute0_lowered;
	s3 =	sadd.s32 s3, s5;
	[dreg:$0x0] =	wrdreg $0x0  }
0xae: {  	s5 =	sshll.u32 s28, $0x1;
	[dreg:$0x2] =	wrdreg s3  }
0xaf: {  	[dreg:$0x3] =	wrdreg s5  }
0xb0: {  	[dreg:$0x4] =	wrdreg $0xC0  }
0xb1: {  	_ =	task [dreg:s7], $0x5FFFF  }
0xb2: {  	[dreg:$0x1] =	wrdreg $0xFFFFFFFF  }
0xb3: {  	[dreg:$0x0] =	wrdreg $0x60  }
0xb4: {  	[dreg:$0x2] =	wrdreg s16  }
0xb5: {  	[dreg:$0x3] =	wrdreg s24  }
0xb6: {  	[dreg:$0x4] =	wrdreg $0x9  }
0xb7: {  	_ =	task.clear_ibuf [dreg:s7], $0x5FFFF;
	_ =	strace $0x90000046  }
0xb8: {  	s29 =	simm.s32 $0x9;
	_ =	strace $0x80000048  }
0xb9: {  	_ =	swait.ge [sflag:s29], $0x1  }
0xba: {  	[sflag:s29] =	ssyncadd.s32 $0xFFFFFFFF  }
0xbb: {  	_ =	strace $0x90000048  }
0xbc: {  	_ =	sfence  }
0xbd: {  	s30 =	sld [smem:$0x0];
	_ =	sdelay $0x2  }
0xbe: {  	s31 =	sshll.u32 s1, $0xD;
	s1 =	sshrl.u32 s1, $0x2  }
0xbf: {  	s3 =	sand.u32 $0x4000, s31;
	s1 =	sadd.s32 s1, s30  }
0xc0: {  	s0 =	sor.u32 s3, s0;
	s1 =	sshll.u32 s1, $0x11  }
0xc1: {  	s0 =	sor.u32 s1, s0  }
0xc2: {  	s0 =	sadd.s32 $0x8F2B, s0  }
0xc3: {  	[sflag:s0] =	ssyncadd.remote.s32 $0x1  }
0xc4: {  	_ =	sfence.sel $0xFFFF  }
0xc5: {  	[dreg:$0x0] =	wrdreg $0xFFFFFFFF;
	(pc) =	sbr.abs _section_cstart, $3  }
0xc6: {  	[dreg:$0x1] =	wrdreg $0xFFFFFFFF  }
0xc7: {  	_ =	task.clear_ibuf [dreg:s7], $0x2FFFF;
	_ =	strace $0x9FFFFFFF  }
0xc8: {  	(tm) =	ssettm $0x7FFFFFFF  }
0xc9: {  	_ =	shalt  }
tec
execute0_lowered:
.L_overlay_start_1:
0x0: {  	(tag) =	ssettag $0x1  }
0x1: {  	s1 =	srdreg.scid;
	s0 =	stileid.u32  }
0x2: {  	s2 =	rddreg [dreg:$0x0];
	s10 =	sand.u32 $0x1, s1;
	s29 =	sshll.u32 s0, $0x1  }
0x3: {  	s11 =	rddreg [dreg:$0x1];
	s12 =	sor.u32 s10, s29  }
0x4: {  	s3 =	simm.s32 $0x0;
	s1 =	rddreg [dreg:$0x2];
	s4 =	sshll.u32 s12, $0x5  }
0x5: {  	[smem:$0x7FF] =	sst s3;
	s4 =	sadd.s32 s4, s11  }
0x6: {  	_ =	strace $0x80000047;
	s5 =	sadd.s32 $0xA00, s4;
	s4 =	simm.s32 $0x2  }
0x7: {  	[tilespmem:s3], [sflag:$0x2] =	stream.linear.gather [hbm4b:s5+s3], $0x100, $0x38;
	[tilespmem:$0x2100] =	vst v63  }
0x8: {  	_ =	swait.ge [sflag:s4], $0x100  }
0x9: {  	[sflag:s4] =	ssyncset.done $0x0  }
0xa: {  	s6 =	simm.s32 $0x80;
	s7 =	simm.s32 $0x100;
	[sflag:s4] =	ssyncadd.s32 $0xFFFFFF00  }
0xb: {  	[tilespmem:s7], [sflag:$0x1] =	stream.indirect.gather [hbm4b:s2+s6], $0x20, s3, s6, $0xb8;
	[tilespmem:$0x2100] =	vst v63  }
0xc: {  	s8 =	simm.s32 $0x1100;
	s9 =	simm.s32 $0x1;
	s10 =	ssub.s32 $0x2, s10  }
0xd: {  	[tilespmem:s8], [sflag:$0x1] =	stream.indirect.gather [hbm4b:s2+s6], $0x20, s6, s6, $0xb8;
	[tilespmem:$0x2100] =	vst v63  }
0xe: {  	s13 =	sshrl.u32 s10, $0x1;
	_ =	swait.ge [sflag:s9], $0x1000  }
0xf: {  	s30 =	ssub.s32 s10, s13;
	[sflag:s9] =	ssyncset.done $0x0  }
0x10: {  	s31 =	smax.u32 s30, $0x1;
	[sflag:s9] =	ssyncadd.s32 $0xFFFFF000  }
0x11: {  	s12 =	sshll.u32 s12, $0xA;
	p0 =	sne.s32 s31, $0x1;
	_ =	swait.ge [sflag:s9], $0x1000  }
.Ltmp0:
0x12: {  	s11 =	sadd.s32 s12, s11;
	[sflag:s9] =	ssyncset.done $0x0;
	(pc) =	sbr.rel @!p0 .LBB2_2-.Ltmp0, $4  }
0x13: {  	s10 =	sadd.s32 $0xE00, s11;
	[sflag:s9] =	ssyncadd.s32 $0xFFFFF000  }
0x14: {  	[hbm4b:s10+s3] =	stream.linear.scatter [tilespmem:s7], [sflag:$0x2], $0x2000, $0x38;
	[tilespmem:$0x2100] =	vst v63  }
0x15: {  	_ =	swait.ge [sflag:s4], $0x2000  }
0x16: {  	s11 =	sadd.s32 $0xFFFFFFFF, s31;
	[sflag:s4] =	ssyncset.done $0x0  }
.LBB2_1:
0x17: {  	p0 =	sne.s32 s11, $0x1;
	s11 =	sadd.s32 $0xFFFFFFFF, s11;
	[sflag:s4] =	ssyncadd.s32 $0xFFFFE000  }
0x18: {  	[tilespmem:s3], [sflag:$0x2] =	stream.linear.gather [hbm4b:s5+s3], $0x100, $0x38;
	[tilespmem:$0x2100] =	vst v63  }
0x19: {  	_ =	swait.ge [sflag:s4], $0x100  }
0x1a: {  	[sflag:s4] =	ssyncset.done $0x0  }
0x1b: {  	[sflag:s4] =	ssyncadd.s32 $0xFFFFFF00  }
0x1c: {  	[tilespmem:s7], [sflag:$0x1] =	stream.indirect.gather [hbm4b:s2+s6], $0x20, s3, s6, $0xb8;
	[tilespmem:$0x2100] =	vst v63  }
0x1d: {  	_ = 	snop  }
0x1e: {  	[tilespmem:s8], [sflag:$0x1] =	stream.indirect.gather [hbm4b:s2+s6], $0x20, s6, s6, $0xb8;
	[tilespmem:$0x2100] =	vst v63  }
0x1f: {  	_ =	swait.ge [sflag:s9], $0x1000  }
0x20: {  	[sflag:s9] =	ssyncset.done $0x0  }
0x21: {  	[sflag:s9] =	ssyncadd.s32 $0xFFFFF000  }
0x22: {  	_ =	swait.ge [sflag:s9], $0x1000  }
.Ltmp1:
0x23: {  	[sflag:s9] =	ssyncset.done $0x0;
	(pc) =	sbr.rel @p0 .LBB2_1-.Ltmp1, $4  }
0x24: {  	[sflag:s9] =	ssyncadd.s32 $0xFFFFF000  }
0x25: {  	[hbm4b:s10+s3] =	stream.linear.scatter [tilespmem:s7], [sflag:$0x2], $0x2000, $0x38;
	[tilespmem:$0x2100] =	vst v63  }
0x26: {  	_ =	swait.ge [sflag:s4], $0x2000  }
0x27: {  	[sflag:s4] =	ssyncset.done $0x0  }
.LBB2_2:
0x28: {  	[sflag:s4] =	ssyncadd.s32 $0xFFFFE000  }
0x29: {  	_ =	sfence.sel $0x180000  }
0x2a: {  	[bflag:$0x0] =	sbarrier.arrive $0xFFFF  }
0x2b: {  	p0 =	sne.s32 s0, $0x0;
	_ =	strace $0x90000047  }
0x2c: {  	s0 =	sadd.s32 @!p0 $0x100000, s1;
	[bflag:$0x2] =	sbarrier.arrive $0xFFFF  }
0x2d: {  	[sflag:s0] =	ssyncadd.tile.s32 @!p0 $0x1;
	_ =	shalt  }
.Lfunc_end2:
_tile_overlayer_lowered:
.L_overlay_start_2:
0x2e: {  	(tag) =	ssettag $0x2  }
0x2f: {  	s0 =	rddreg [dreg:$0x0];
	s2 =	stileid.u32  }
0x30: {  	s1 =	rddreg [dreg:$0x1];
	p0 =	sne.s32 s2, $0x0  }
0x31: {  	s3 =	rddreg [dreg:$0x2];
	[bflag:$0x3] =	sbarrier.arrive $0xFFFF;
	s2 =	simm.s32 @!p0 $0x1C02  }
0x32: {  	[timem:s3], [sflag:s2] =	dma.local @!p0 [hbm:s0], s1  }
0x33: {  	s0 =	simm.s32 @!p0 $0x2  }
0x34: {  	_ =	swait.ge @!p0 [sflag:s0], s1  }
0x35: {  	s1 =	ssub.s32 @!p0 $0x0, s1;
	[sflag:s0] =	ssyncset.done @!p0 $0x0  }
0x36: {  	[sflag:s0] =	ssyncadd.s32 @!p0 s1  }
0x37: {  	[bflag:$0x3] =	sbarrier.arrive $0xFFFF  }
0x38: {  	_ =	shalt  }

</sc_bundles>
